<compile_context>
chip_gen: v7x
topology: tpu7x:2x2x1
jax: 0.10.2.dev20260603
libtpu: 0.0.44.dev20260713+nightly
codegen_flags: <defaults>
</compile_context>

<pallas_src>
import functools

import jax
import jax.numpy as jnp
from jax import lax
from jax.experimental import pallas as pl
from jax.experimental.pallas import tpu as pltpu
from jax.experimental.pallas import tpu_sc as plsc

V = 1_000_000
D = 32
NB = 16384
NF = 26
NFP = 32
NC = 2
NS = 16
NW = NC * NS
ROWS_W = NB // NW
GR = 64
NG = ROWS_W // GR

assert NW * ROWS_W == NB and NG * GR == ROWS_W


@functools.partial(
    pl.kernel,
    mesh=plsc.VectorSubcoreMesh(core_axis_name="c", subcore_axis_name="s"),
    out_type=jax.ShapeDtypeStruct((NB, NF, D), jnp.float32),
    scratch_types=[
        pltpu.VMEM((GR, NFP), jnp.float32),
        pltpu.VMEM((GR, NFP), jnp.float32),
        pltpu.VMEM((GR * NFP,), jnp.int32),
        pltpu.VMEM((GR * NFP,), jnp.int32),
        pltpu.VMEM((GR, NF, D), jnp.float32),
        pltpu.VMEM((GR, NF, D), jnp.float32),
        pltpu.SemaphoreType.DMA,
        pltpu.SemaphoreType.DMA,
        pltpu.SemaphoreType.DMA,
        pltpu.SemaphoreType.DMA,
    ],
    compiler_params=pltpu.CompilerParams(use_tc_tiling_on_sc=False, needs_layout_passes=False),
)
def _gather_kernel(idx_hbm, table_hbm, out_hbm,
                   p0, p1, f0, f1, rows0, rows1, g0, g1, o0, o1):
    wid = lax.axis_index("s") * NC + lax.axis_index("c")
    b0 = wid * ROWS_W

    pad = (p0, p1)
    flat = (f0, f1)
    rows = (rows0, rows1)
    gsem = (g0, g1)
    osem = (o0, o1)

    def stage_and_fire(g, s):
        pltpu.sync_copy(idx_hbm.at[pl.ds(b0 + g * GR, GR)], pad[s])

        def repack(i, c):
            lo = plsc.bitcast(pad[s][i, pl.ds(0, 16)], jnp.int32)
            hi = plsc.bitcast(pad[s][i, pl.ds(16, 16)], jnp.int32)
            flat[s][pl.ds(i * NFP, 16)] = lo
            flat[s][pl.ds(i * NFP + 16, 16)] = hi
            return c

        lax.fori_loop(0, GR, repack, 0)

        def fire(i, c):
            pltpu.async_copy(
                table_hbm.at[flat[s].at[pl.ds(i * NFP, NF)]],
                rows[s].at[i],
                gsem[s],
            )
            return c

        lax.fori_loop(0, GR, fire, 0)

    def wait_gathers(s):
        def w(i, c):
            pltpu.make_async_copy(
                table_hbm.at[flat[s].at[pl.ds(0, NF)]],
                rows[s].at[0],
                gsem[s],
            ).wait()
            return c

        lax.fori_loop(0, GR, w, 0)

    def fire_out(g, s):
        pltpu.async_copy(rows[s], out_hbm.at[pl.ds(b0 + g * GR, GR)], osem[s])

    def wait_out(s):
        pltpu.make_async_copy(
            rows[s], out_hbm.at[pl.ds(b0, GR)], osem[s]
        ).wait()

    stage_and_fire(0, 0)

    def body(i, carry):
        for s in (0, 1):
            k = 2 * i + s
            nxt = k + 1

            @pl.when(nxt < NG)
            def _():
                @pl.when(nxt >= 2)
                def _():
                    wait_out(1 - s)
                stage_and_fire(nxt, 1 - s)

            wait_gathers(s)
            fire_out(k, s)
        return carry

    lax.fori_loop(0, NG // 2, body, 0)
    wait_out(0)
    wait_out(1)


def kernel(input, others):
    idx = jnp.pad(input.astype(jnp.int32), ((0, 0), (0, NFP - NF)))
    return _gather_kernel(jax.lax.bitcast_convert_type(idx, jnp.float32), others)

# --- scband reference (transcript-rebuilt; emitter-appended) ---
"""Pipeline reference for scband-embedding-function-57724360458857 (READ-ONLY COPY).

The authoritative reference and input builder live on the scoring server;
editing this copy changes nothing except your own understanding.
"""

import jax, jax.numpy as jnp
import numpy as np

def setup_inputs(seed: int = 0) -> dict:
    key = jax.random.key(seed)
    k1, k2 = jax.random.split(key)
    inp = jax.random.randint(k1, (16384, 26), 0, 1000000, dtype=jnp.int64) if jax.config.jax_enable_x64 else jax.random.randint(k1, (16384, 26), 0, 1000000, dtype=jnp.int32)
    others = jax.random.normal(k2, (1000000, 32), dtype=jnp.float32)
    return {"input": inp, "others": others}

def reference(input, others):
    # nn.functional.embedding(input, weight) == weight[input]
    return jnp.take(others, input, axis=0)

if __name__ == "__main__":
    import jax
    _d = setup_inputs()
    print(jax.jit(kernel)(*tuple(_d.values())))

</pallas_src>

<mosaic_0001>
#map = affine_map<(d0, d1) -> (0, 0)>
#map1 = affine_map<(d0, d1) -> (0, 0, 0)>
module attributes {stable_mosaic.version = 14 : i64} {
  func.func @_gather_kernel(%arg0: i32, %arg1: i32, %arg2: memref<16384x32xf32, #tpu.memory_space<hbm>>, %arg3: memref<1000000x32xf32, #tpu.memory_space<hbm>>, %arg4: memref<16384x26x32xf32, #tpu.memory_space<hbm>>, %arg5: memref<64x32xf32, #tpu.memory_space<vmem>>, %arg6: memref<64x32xf32, #tpu.memory_space<vmem>>, %arg7: memref<2048xi32, #tpu.memory_space<vmem>>, %arg8: memref<2048xi32, #tpu.memory_space<vmem>>, %arg9: memref<64x26x32xf32, #tpu.memory_space<vmem>>, %arg10: memref<64x26x32xf32, #tpu.memory_space<vmem>>, %arg11: memref<!tpu.dma_semaphore, #tpu.memory_space<semaphore_mem>>, %arg12: memref<!tpu.dma_semaphore, #tpu.memory_space<semaphore_mem>>, %arg13: memref<!tpu.dma_semaphore, #tpu.memory_space<semaphore_mem>>, %arg14: memref<!tpu.dma_semaphore, #tpu.memory_space<semaphore_mem>>) attributes {dimension_semantics = [#tpu.dimension_semantics<core_parallel>, #tpu.dimension_semantics<subcore_parallel>], iteration_bounds = array<i64: 2, 16>, scalar_prefetch = 0 : i64, scratch_operands = 10 : i64, tpu.core_type = #tpu.core_type<sc_vector_subcore>, window_params = [{transform_indices = #map}, {transform_indices = #map}, {transform_indices = #map1}]} {
    %mul3A = arith.constant 2 : i32
    %mul3A_0 = arith.muli %arg1, %mul3A : i32
    %add3A = arith.addi %mul3A_0, %arg0 : i32
    %mul3A_1 = arith.constant 512 : i32
    %mul3A_2 = arith.muli %add3A, %mul3A_1 : i32
    %add3A_3 = arith.constant 0 : i32
    %add3A_4 = arith.addi %mul3A_2, %add3A_3 : i32
    "tpu.region"() ({
      %run_scoped3A = tpu.sem_alloc : memref<!tpu.dma_semaphore, #tpu.memory_space<semaphore_mem>>
      %dma_start3A = arith.constant 0 : i32
      %dma_start3A_33 = tpu.memref_slice %arg2[%add3A_4, %dma_start3A] : memref<16384x32xf32, #tpu.memory_space<hbm>> -> memref<64x32xf32, #tpu.memory_space<hbm>>
      %dma_start3A_34 = arith.constant 0 : i32
      %dma_start3A_35 = tpu.memref_slice %arg2[%add3A_4, %dma_start3A_34] : memref<16384x32xf32, #tpu.memory_space<hbm>> -> memref<64x32xf32, #tpu.memory_space<hbm>>
      tpu.enqueue_dma source(%dma_start3A_35 : memref<64x32xf32, #tpu.memory_space<hbm>>) target(%arg5 : memref<64x32xf32, #tpu.memory_space<vmem>>) target_semaphore(%run_scoped3A : memref<!tpu.dma_semaphore, #tpu.memory_space<semaphore_mem>>)
      %dma_wait3A_36 = arith.constant 0 : i32
      %dma_wait3A_37 = tpu.memref_slice %arg2[%add3A_4, %dma_wait3A_36] : memref<16384x32xf32, #tpu.memory_space<hbm>> -> memref<64x32xf32, #tpu.memory_space<hbm>>
      %dma_wait3A_38 = arith.constant 0 : i32
      %dma_wait3A_39 = tpu.memref_slice %arg2[%add3A_4, %dma_wait3A_38] : memref<16384x32xf32, #tpu.memory_space<hbm>> -> memref<64x32xf32, #tpu.memory_space<hbm>>
      tpu.wait_dma2 semaphore(%run_scoped3A : memref<!tpu.dma_semaphore, #tpu.memory_space<semaphore_mem>>) src(%dma_wait3A_39 : memref<64x32xf32, #tpu.memory_space<hbm>>) dst(%arg5 : memref<64x32xf32, #tpu.memory_space<vmem>>)
      tpu.yield
    }) : () -> ()
    %scan3A = arith.constant 0 : i32
    %scan3A_5 = arith.constant 0 : i32
    %scan3A_6 = arith.constant 64 : i32
    %scan3A_7 = arith.addi %scan3A_5, %scan3A_6 : i32
    %scan3A_8 = arith.constant 1 : i32
    scf.for %scan3A_33 = %scan3A_5 to %scan3A_7 step %scan3A_8  : i32 {
      %get3A = arith.index_cast %scan3A_33 : i32 to index
      %get3A_34 = arith.constant 0 : index
      %get3A_35 = tpu.vector_load %arg5[%get3A, %get3A_34] {strides = array<i32>} : memref<64x32xf32, #tpu.memory_space<vmem>>, vector<16xf32>,
      %bitcast3A = vector.bitcast %get3A_35 : vector<16xf32> to vector<16xi32>
      %get3A_36 = arith.index_cast %scan3A_33 : i32 to index
      %get3A_37 = arith.constant 16 : index
      %get3A_38 = tpu.vector_load %arg5[%get3A_36, %get3A_37] {strides = array<i32>} : memref<64x32xf32, #tpu.memory_space<vmem>>, vector<16xf32>,
      %bitcast3A_39 = vector.bitcast %get3A_38 : vector<16xf32> to vector<16xi32>
      %mul3A_40 = arith.constant 32 : i32
      %mul3A_41 = arith.muli %scan3A_33, %mul3A_40 : i32
      %swap3A = arith.index_cast %mul3A_41 : i32 to index
      %swap3A_42 = tpu.vector_load %arg7[%swap3A] {strides = array<i32>} : memref<2048xi32, #tpu.memory_space<vmem>>, vector<16xi32>,
      tpu.vector_store %arg7[%swap3A], %bitcast3A {strides = array<i32>} : memref<2048xi32, #tpu.memory_space<vmem>>, vector<16xi32>,
      %mul3A_43 = arith.constant 32 : i32
      %mul3A_44 = arith.muli %scan3A_33, %mul3A_43 : i32
      %add3A_45 = arith.constant 16 : i32
      %add3A_46 = arith.addi %mul3A_44, %add3A_45 : i32
      %swap3A_47 = arith.index_cast %add3A_46 : i32 to index
      %swap3A_48 = tpu.vector_load %arg7[%swap3A_47] {strides = array<i32>} : memref<2048xi32, #tpu.memory_space<vmem>>, vector<16xi32>,
      tpu.vector_store %arg7[%swap3A_47], %bitcast3A_39 {strides = array<i32>} : memref<2048xi32, #tpu.memory_space<vmem>>, vector<16xi32>,
    }
    %scan3A_9 = arith.constant 64 : i32
    %scan3A_10 = arith.constant 0 : i32
    %scan3A_11 = arith.constant 0 : i32
    %scan3A_12 = arith.constant 64 : i32
    %scan3A_13 = arith.addi %scan3A_11, %scan3A_12 : i32
    %scan3A_14 = arith.constant 1 : i32
    scf.for %scan3A_33 = %scan3A_11 to %scan3A_13 step %scan3A_14  : i32 {
      %mul3A_34 = arith.constant 32 : i32
      %mul3A_35 = arith.muli %scan3A_33, %mul3A_34 : i32
      %dma_start3A = arith.constant 0 : i32
      %dma_start3A_36 = arith.constant 0 : i32
      %dma_start3A_37 = tpu.memref_slice %arg9[%scan3A_33, %dma_start3A, %dma_start3A_36] : memref<64x26x32xf32, #tpu.memory_space<vmem>> -> memref<1x26x32xf32, #tpu.memory_space<vmem>>
      %dma_start3A_38 = tpu.memref_squeeze %dma_start3A_37 : memref<1x26x32xf32, #tpu.memory_space<vmem>> -> memref<26x32xf32, #tpu.memory_space<vmem>>
      %dma_start3A_39 = tpu.memref_slice %arg7[%mul3A_35] : memref<2048xi32, #tpu.memory_space<vmem>> -> memref<26xi32, #tpu.memory_space<vmem>>
      %dma_start3A_40 = arith.constant 0 : i32
      %dma_start3A_41 = arith.constant 0 : i32
      %dma_start3A_42 = tpu.memref_slice %arg3[%dma_start3A_40, %dma_start3A_41] : memref<1000000x32xf32, #tpu.memory_space<hbm>> -> memref<1000000x32xf32, #tpu.memory_space<hbm>>
      tpu.enqueue_indirect_dma source(%dma_start3A_42 : memref<1000000x32xf32, #tpu.memory_space<hbm>>) target(%dma_start3A_38 : memref<26x32xf32, #tpu.memory_space<vmem>>) offsets(%dma_start3A_39 : memref<26xi32, #tpu.memory_space<vmem>>) semaphore(%arg11 : memref<!tpu.dma_semaphore, #tpu.memory_space<semaphore_mem>>)
    }
    %scan3A_15 = arith.constant 64 : i32
    %scan3A_16 = arith.constant 0 : i32
    %scan3A_17 = arith.constant 0 : i32
    %scan3A_18 = arith.constant 4 : i32
    %scan3A_19 = arith.addi %scan3A_17, %scan3A_18 : i32
    %scan3A_20 = arith.constant 1 : i32
    scf.for %scan3A_33 = %scan3A_17 to %scan3A_19 step %scan3A_20  : i32 {
      %mul3A_34 = arith.constant 2 : i32
      %mul3A_35 = arith.muli %mul3A_34, %scan3A_33 : i32
      %add3A_36 = arith.constant 0 : i32
      %add3A_37 = arith.addi %mul3A_35, %add3A_36 : i32
      %add3A_38 = arith.constant 1 : i32
      %add3A_39 = arith.addi %add3A_37, %add3A_38 : i32
      %lt3A = arith.constant 8 : i32
      %lt3A_40 = arith.cmpi slt, %add3A_39, %lt3A : i32
      %convert_element_type3A = arith.extui %lt3A_40 : i1 to i32
      %cond3A = arith.constant 0 : i32
      %cond3A_41 = arith.cmpi ne, %convert_element_type3A, %cond3A : i32
      scf.if %cond3A_41 {
        %ge3A = arith.constant 2 : i32
        %ge3A_82 = arith.cmpi sge, %add3A_39, %ge3A : i32
        %convert_element_type3A_83 = arith.extui %ge3A_82 : i1 to i32
        %cond3A_84 = arith.constant 0 : i32
        %cond3A_85 = arith.cmpi ne, %convert_element_type3A_83, %cond3A_84 : i32
        scf.if %cond3A_85 {
          %dma_wait3A_101 = arith.constant 0 : i32
          %dma_wait3A_102 = arith.constant 0 : i32
          %dma_wait3A_103 = tpu.memref_slice %arg4[%mul3A_2, %dma_wait3A_101, %dma_wait3A_102] : memref<16384x26x32xf32, #tpu.memory_space<hbm>> -> memref<64x26x32xf32, #tpu.memory_space<hbm>>
          %dma_wait3A_104 = arith.constant 0 : i32
          %dma_wait3A_105 = arith.constant 0 : i32
          %dma_wait3A_106 = tpu.memref_slice %arg4[%mul3A_2, %dma_wait3A_104, %dma_wait3A_105] : memref<16384x26x32xf32, #tpu.memory_space<hbm>> -> memref<64x26x32xf32, #tpu.memory_space<hbm>>
          tpu.wait_dma2 semaphore(%arg14 : memref<!tpu.dma_semaphore, #tpu.memory_space<semaphore_mem>>) src(%arg10 : memref<64x26x32xf32, #tpu.memory_space<vmem>>) dst(%dma_wait3A_106 : memref<64x26x32xf32, #tpu.memory_space<hbm>>)
        } else {
        }
        %mul3A_86 = arith.constant 64 : i32
        %mul3A_87 = arith.muli %add3A_39, %mul3A_86 : i32
        %add3A_88 = arith.addi %mul3A_2, %mul3A_87 : i32
        "tpu.region"() ({
          %run_scoped3A = tpu.sem_alloc : memref<!tpu.dma_semaphore, #tpu.memory_space<semaphore_mem>>
          %dma_start3A_101 = arith.constant 0 : i32
          %dma_start3A_102 = tpu.memref_slice %arg2[%add3A_88, %dma_start3A_101] : memref<16384x32xf32, #tpu.memory_space<hbm>> -> memref<64x32xf32, #tpu.memory_space<hbm>>
          %dma_start3A_103 = arith.constant 0 : i32
          %dma_start3A_104 = tpu.memref_slice %arg2[%add3A_88, %dma_start3A_103] : memref<16384x32xf32, #tpu.memory_space<hbm>> -> memref<64x32xf32, #tpu.memory_space<hbm>>
          tpu.enqueue_dma source(%dma_start3A_104 : memref<64x32xf32, #tpu.memory_space<hbm>>) target(%arg6 : memref<64x32xf32, #tpu.memory_space<vmem>>) target_semaphore(%run_scoped3A : memref<!tpu.dma_semaphore, #tpu.memory_space<semaphore_mem>>)
          %dma_wait3A_105 = arith.constant 0 : i32
          %dma_wait3A_106 = tpu.memref_slice %arg2[%add3A_88, %dma_wait3A_105] : memref<16384x32xf32, #tpu.memory_space<hbm>> -> memref<64x32xf32, #tpu.memory_space<hbm>>
          %dma_wait3A_107 = arith.constant 0 : i32
          %dma_wait3A_108 = tpu.memref_slice %arg2[%add3A_88, %dma_wait3A_107] : memref<16384x32xf32, #tpu.memory_space<hbm>> -> memref<64x32xf32, #tpu.memory_space<hbm>>
          tpu.wait_dma2 semaphore(%run_scoped3A : memref<!tpu.dma_semaphore, #tpu.memory_space<semaphore_mem>>) src(%dma_wait3A_108 : memref<64x32xf32, #tpu.memory_space<hbm>>) dst(%arg6 : memref<64x32xf32, #tpu.memory_space<vmem>>)
          tpu.yield
        }) : () -> ()
        %scan3A_89 = arith.constant 0 : i32
        %scan3A_90 = arith.constant 0 : i32
        %scan3A_91 = arith.constant 64 : i32
        %scan3A_92 = arith.addi %scan3A_90, %scan3A_91 : i32
        %scan3A_93 = arith.constant 1 : i32
        scf.for %scan3A_101 = %scan3A_90 to %scan3A_92 step %scan3A_93  : i32 {
          %get3A = arith.index_cast %scan3A_101 : i32 to index
          %get3A_102 = arith.constant 0 : index
          %get3A_103 = tpu.vector_load %arg6[%get3A, %get3A_102] {strides = array<i32>} : memref<64x32xf32, #tpu.memory_space<vmem>>, vector<16xf32>,
          %bitcast3A = vector.bitcast %get3A_103 : vector<16xf32> to vector<16xi32>
          %get3A_104 = arith.index_cast %scan3A_101 : i32 to index
          %get3A_105 = arith.constant 16 : index
          %get3A_106 = tpu.vector_load %arg6[%get3A_104, %get3A_105] {strides = array<i32>} : memref<64x32xf32, #tpu.memory_space<vmem>>, vector<16xf32>,
          %bitcast3A_107 = vector.bitcast %get3A_106 : vector<16xf32> to vector<16xi32>
          %mul3A_108 = arith.constant 32 : i32
          %mul3A_109 = arith.muli %scan3A_101, %mul3A_108 : i32
          %swap3A = arith.index_cast %mul3A_109 : i32 to index
          %swap3A_110 = tpu.vector_load %arg8[%swap3A] {strides = array<i32>} : memref<2048xi32, #tpu.memory_space<vmem>>, vector<16xi32>,
          tpu.vector_store %arg8[%swap3A], %bitcast3A {strides = array<i32>} : memref<2048xi32, #tpu.memory_space<vmem>>, vector<16xi32>,
          %mul3A_111 = arith.constant 32 : i32
          %mul3A_112 = arith.muli %scan3A_101, %mul3A_111 : i32
          %add3A_113 = arith.constant 16 : i32
          %add3A_114 = arith.addi %mul3A_112, %add3A_113 : i32
          %swap3A_115 = arith.index_cast %add3A_114 : i32 to index
          %swap3A_116 = tpu.vector_load %arg8[%swap3A_115] {strides = array<i32>} : memref<2048xi32, #tpu.memory_space<vmem>>, vector<16xi32>,
          tpu.vector_store %arg8[%swap3A_115], %bitcast3A_107 {strides = array<i32>} : memref<2048xi32, #tpu.memory_space<vmem>>, vector<16xi32>,
        }
        %scan3A_94 = arith.constant 64 : i32
        %scan3A_95 = arith.constant 0 : i32
        %scan3A_96 = arith.constant 0 : i32
        %scan3A_97 = arith.constant 64 : i32
        %scan3A_98 = arith.addi %scan3A_96, %scan3A_97 : i32
        %scan3A_99 = arith.constant 1 : i32
        scf.for %scan3A_101 = %scan3A_96 to %scan3A_98 step %scan3A_99  : i32 {
          %mul3A_102 = arith.constant 32 : i32
          %mul3A_103 = arith.muli %scan3A_101, %mul3A_102 : i32
          %dma_start3A_104 = arith.constant 0 : i32
          %dma_start3A_105 = arith.constant 0 : i32
          %dma_start3A_106 = tpu.memref_slice %arg10[%scan3A_101, %dma_start3A_104, %dma_start3A_105] : memref<64x26x32xf32, #tpu.memory_space<vmem>> -> memref<1x26x32xf32, #tpu.memory_space<vmem>>
          %dma_start3A_107 = tpu.memref_squeeze %dma_start3A_106 : memref<1x26x32xf32, #tpu.memory_space<vmem>> -> memref<26x32xf32, #tpu.memory_space<vmem>>
          %dma_start3A_108 = tpu.memref_slice %arg8[%mul3A_103] : memref<2048xi32, #tpu.memory_space<vmem>> -> memref<26xi32, #tpu.memory_space<vmem>>
          %dma_start3A_109 = arith.constant 0 : i32
          %dma_start3A_110 = arith.constant 0 : i32
          %dma_start3A_111 = tpu.memref_slice %arg3[%dma_start3A_109, %dma_start3A_110] : memref<1000000x32xf32, #tpu.memory_space<hbm>> -> memref<1000000x32xf32, #tpu.memory_space<hbm>>
          tpu.enqueue_indirect_dma source(%dma_start3A_111 : memref<1000000x32xf32, #tpu.memory_space<hbm>>) target(%dma_start3A_107 : memref<26x32xf32, #tpu.memory_space<vmem>>) offsets(%dma_start3A_108 : memref<26xi32, #tpu.memory_space<vmem>>) semaphore(%arg12 : memref<!tpu.dma_semaphore, #tpu.memory_space<semaphore_mem>>)
        }
        %scan3A_100 = arith.constant 64 : i32
      } else {
      }
      %scan3A_42 = arith.constant 0 : i32
      %scan3A_43 = arith.constant 0 : i32
      %scan3A_44 = arith.constant 64 : i32
      %scan3A_45 = arith.addi %scan3A_43, %scan3A_44 : i32
      %scan3A_46 = arith.constant 1 : i32
      scf.for %scan3A_82 = %scan3A_43 to %scan3A_45 step %scan3A_46  : i32 {
        %dma_wait3A_83 = arith.constant 0 : i32
        %dma_wait3A_84 = arith.constant 0 : i32
        %dma_wait3A_85 = arith.constant 0 : i32
        %dma_wait3A_86 = tpu.memref_slice %arg9[%dma_wait3A_83, %dma_wait3A_84, %dma_wait3A_85] : memref<64x26x32xf32, #tpu.memory_space<vmem>> -> memref<1x26x32xf32, #tpu.memory_space<vmem>>
        %dma_wait3A_87 = tpu.memref_squeeze %dma_wait3A_86 : memref<1x26x32xf32, #tpu.memory_space<vmem>> -> memref<26x32xf32, #tpu.memory_space<vmem>>
        %dma_wait3A_88 = arith.constant 0 : i32
        %dma_wait3A_89 = tpu.memref_slice %arg7[%dma_wait3A_88] : memref<2048xi32, #tpu.memory_space<vmem>> -> memref<26xi32, #tpu.memory_space<vmem>>
        %dma_wait3A_90 = arith.constant 0 : i32
        %dma_wait3A_91 = arith.constant 0 : i32
        %dma_wait3A_92 = tpu.memref_slice %arg3[%dma_wait3A_90, %dma_wait3A_91] : memref<1000000x32xf32, #tpu.memory_space<hbm>> -> memref<1000000x32xf32, #tpu.memory_space<hbm>>
        tpu.wait_indirect_dma semaphore(%arg11 : memref<!tpu.dma_semaphore, #tpu.memory_space<semaphore_mem>>) src(%dma_wait3A_92 : memref<1000000x32xf32, #tpu.memory_space<hbm>>) dst(%dma_wait3A_87 : memref<26x32xf32, #tpu.memory_space<vmem>>)
      }
      %scan3A_47 = arith.constant 64 : i32
      %mul3A_48 = arith.constant 64 : i32
      %mul3A_49 = arith.muli %add3A_37, %mul3A_48 : i32
      %add3A_50 = arith.addi %mul3A_2, %mul3A_49 : i32
      %dma_start3A = arith.constant 0 : i32
      %dma_start3A_51 = arith.constant 0 : i32
      %dma_start3A_52 = tpu.memref_slice %arg4[%add3A_50, %dma_start3A, %dma_start3A_51] : memref<16384x26x32xf32, #tpu.memory_space<hbm>> -> memref<64x26x32xf32, #tpu.memory_space<hbm>>
      %dma_start3A_53 = arith.constant 0 : i32
      %dma_start3A_54 = arith.constant 0 : i32
      %dma_start3A_55 = tpu.memref_slice %arg4[%add3A_50, %dma_start3A_53, %dma_start3A_54] : memref<16384x26x32xf32, #tpu.memory_space<hbm>> -> memref<64x26x32xf32, #tpu.memory_space<hbm>>
      tpu.enqueue_dma source(%arg9 : memref<64x26x32xf32, #tpu.memory_space<vmem>>) target(%dma_start3A_55 : memref<64x26x32xf32, #tpu.memory_space<hbm>>) target_semaphore(%arg13 : memref<!tpu.dma_semaphore, #tpu.memory_space<semaphore_mem>>)
      %mul3A_56 = arith.constant 2 : i32
      %mul3A_57 = arith.muli %mul3A_56, %scan3A_33 : i32
      %add3A_58 = arith.constant 1 : i32
      %add3A_59 = arith.addi %mul3A_57, %add3A_58 : i32
      %add3A_60 = arith.constant 1 : i32
      %add3A_61 = arith.addi %add3A_59, %add3A_60 : i32
      %lt3A_62 = arith.constant 8 : i32
      %lt3A_63 = arith.cmpi slt, %add3A_61, %lt3A_62 : i32
      %convert_element_type3A_64 = arith.extui %lt3A_63 : i1 to i32
      %cond3A_65 = arith.constant 0 : i32
      %cond3A_66 = arith.cmpi ne, %convert_element_type3A_64, %cond3A_65 : i32
      scf.if %cond3A_66 {
        %ge3A = arith.constant 2 : i32
        %ge3A_82 = arith.cmpi sge, %add3A_61, %ge3A : i32
        %convert_element_type3A_83 = arith.extui %ge3A_82 : i1 to i32
        %cond3A_84 = arith.constant 0 : i32
        %cond3A_85 = arith.cmpi ne, %convert_element_type3A_83, %cond3A_84 : i32
        scf.if %cond3A_85 {
          %dma_wait3A_101 = arith.constant 0 : i32
          %dma_wait3A_102 = arith.constant 0 : i32
          %dma_wait3A_103 = tpu.memref_slice %arg4[%mul3A_2, %dma_wait3A_101, %dma_wait3A_102] : memref<16384x26x32xf32, #tpu.memory_space<hbm>> -> memref<64x26x32xf32, #tpu.memory_space<hbm>>
          %dma_wait3A_104 = arith.constant 0 : i32
          %dma_wait3A_105 = arith.constant 0 : i32
          %dma_wait3A_106 = tpu.memref_slice %arg4[%mul3A_2, %dma_wait3A_104, %dma_wait3A_105] : memref<16384x26x32xf32, #tpu.memory_space<hbm>> -> memref<64x26x32xf32, #tpu.memory_space<hbm>>
          tpu.wait_dma2 semaphore(%arg13 : memref<!tpu.dma_semaphore, #tpu.memory_space<semaphore_mem>>) src(%arg9 : memref<64x26x32xf32, #tpu.memory_space<vmem>>) dst(%dma_wait3A_106 : memref<64x26x32xf32, #tpu.memory_space<hbm>>)
        } else {
        }
        %mul3A_86 = arith.constant 64 : i32
        %mul3A_87 = arith.muli %add3A_61, %mul3A_86 : i32
        %add3A_88 = arith.addi %mul3A_2, %mul3A_87 : i32
        "tpu.region"() ({
          %run_scoped3A = tpu.sem_alloc : memref<!tpu.dma_semaphore, #tpu.memory_space<semaphore_mem>>
          %dma_start3A_101 = arith.constant 0 : i32
          %dma_start3A_102 = tpu.memref_slice %arg2[%add3A_88, %dma_start3A_101] : memref<16384x32xf32, #tpu.memory_space<hbm>> -> memref<64x32xf32, #tpu.memory_space<hbm>>
          %dma_start3A_103 = arith.constant 0 : i32
          %dma_start3A_104 = tpu.memref_slice %arg2[%add3A_88, %dma_start3A_103] : memref<16384x32xf32, #tpu.memory_space<hbm>> -> memref<64x32xf32, #tpu.memory_space<hbm>>
          tpu.enqueue_dma source(%dma_start3A_104 : memref<64x32xf32, #tpu.memory_space<hbm>>) target(%arg5 : memref<64x32xf32, #tpu.memory_space<vmem>>) target_semaphore(%run_scoped3A : memref<!tpu.dma_semaphore, #tpu.memory_space<semaphore_mem>>)
          %dma_wait3A_105 = arith.constant 0 : i32
          %dma_wait3A_106 = tpu.memref_slice %arg2[%add3A_88, %dma_wait3A_105] : memref<16384x32xf32, #tpu.memory_space<hbm>> -> memref<64x32xf32, #tpu.memory_space<hbm>>
          %dma_wait3A_107 = arith.constant 0 : i32
          %dma_wait3A_108 = tpu.memref_slice %arg2[%add3A_88, %dma_wait3A_107] : memref<16384x32xf32, #tpu.memory_space<hbm>> -> memref<64x32xf32, #tpu.memory_space<hbm>>
          tpu.wait_dma2 semaphore(%run_scoped3A : memref<!tpu.dma_semaphore, #tpu.memory_space<semaphore_mem>>) src(%dma_wait3A_108 : memref<64x32xf32, #tpu.memory_space<hbm>>) dst(%arg5 : memref<64x32xf32, #tpu.memory_space<vmem>>)
          tpu.yield
        }) : () -> ()
        %scan3A_89 = arith.constant 0 : i32
        %scan3A_90 = arith.constant 0 : i32
        %scan3A_91 = arith.constant 64 : i32
        %scan3A_92 = arith.addi %scan3A_90, %scan3A_91 : i32
        %scan3A_93 = arith.constant 1 : i32
        scf.for %scan3A_101 = %scan3A_90 to %scan3A_92 step %scan3A_93  : i32 {
          %get3A = arith.index_cast %scan3A_101 : i32 to index
          %get3A_102 = arith.constant 0 : index
          %get3A_103 = tpu.vector_load %arg5[%get3A, %get3A_102] {strides = array<i32>} : memref<64x32xf32, #tpu.memory_space<vmem>>, vector<16xf32>,
          %bitcast3A = vector.bitcast %get3A_103 : vector<16xf32> to vector<16xi32>
          %get3A_104 = arith.index_cast %scan3A_101 : i32 to index
          %get3A_105 = arith.constant 16 : index
          %get3A_106 = tpu.vector_load %arg5[%get3A_104, %get3A_105] {strides = array<i32>} : memref<64x32xf32, #tpu.memory_space<vmem>>, vector<16xf32>,
          %bitcast3A_107 = vector.bitcast %get3A_106 : vector<16xf32> to vector<16xi32>
          %mul3A_108 = arith.constant 32 : i32
          %mul3A_109 = arith.muli %scan3A_101, %mul3A_108 : i32
          %swap3A = arith.index_cast %mul3A_109 : i32 to index
          %swap3A_110 = tpu.vector_load %arg7[%swap3A] {strides = array<i32>} : memref<2048xi32, #tpu.memory_space<vmem>>, vector<16xi32>,
          tpu.vector_store %arg7[%swap3A], %bitcast3A {strides = array<i32>} : memref<2048xi32, #tpu.memory_space<vmem>>, vector<16xi32>,
          %mul3A_111 = arith.constant 32 : i32
          %mul3A_112 = arith.muli %scan3A_101, %mul3A_111 : i32
          %add3A_113 = arith.constant 16 : i32
          %add3A_114 = arith.addi %mul3A_112, %add3A_113 : i32
          %swap3A_115 = arith.index_cast %add3A_114 : i32 to index
          %swap3A_116 = tpu.vector_load %arg7[%swap3A_115] {strides = array<i32>} : memref<2048xi32, #tpu.memory_space<vmem>>, vector<16xi32>,
          tpu.vector_store %arg7[%swap3A_115], %bitcast3A_107 {strides = array<i32>} : memref<2048xi32, #tpu.memory_space<vmem>>, vector<16xi32>,
        }
        %scan3A_94 = arith.constant 64 : i32
        %scan3A_95 = arith.constant 0 : i32
        %scan3A_96 = arith.constant 0 : i32
        %scan3A_97 = arith.constant 64 : i32
        %scan3A_98 = arith.addi %scan3A_96, %scan3A_97 : i32
        %scan3A_99 = arith.constant 1 : i32
        scf.for %scan3A_101 = %scan3A_96 to %scan3A_98 step %scan3A_99  : i32 {
          %mul3A_102 = arith.constant 32 : i32
          %mul3A_103 = arith.muli %scan3A_101, %mul3A_102 : i32
          %dma_start3A_104 = arith.constant 0 : i32
          %dma_start3A_105 = arith.constant 0 : i32
          %dma_start3A_106 = tpu.memref_slice %arg9[%scan3A_101, %dma_start3A_104, %dma_start3A_105] : memref<64x26x32xf32, #tpu.memory_space<vmem>> -> memref<1x26x32xf32, #tpu.memory_space<vmem>>
          %dma_start3A_107 = tpu.memref_squeeze %dma_start3A_106 : memref<1x26x32xf32, #tpu.memory_space<vmem>> -> memref<26x32xf32, #tpu.memory_space<vmem>>
          %dma_start3A_108 = tpu.memref_slice %arg7[%mul3A_103] : memref<2048xi32, #tpu.memory_space<vmem>> -> memref<26xi32, #tpu.memory_space<vmem>>
          %dma_start3A_109 = arith.constant 0 : i32
          %dma_start3A_110 = arith.constant 0 : i32
          %dma_start3A_111 = tpu.memref_slice %arg3[%dma_start3A_109, %dma_start3A_110] : memref<1000000x32xf32, #tpu.memory_space<hbm>> -> memref<1000000x32xf32, #tpu.memory_space<hbm>>
          tpu.enqueue_indirect_dma source(%dma_start3A_111 : memref<1000000x32xf32, #tpu.memory_space<hbm>>) target(%dma_start3A_107 : memref<26x32xf32, #tpu.memory_space<vmem>>) offsets(%dma_start3A_108 : memref<26xi32, #tpu.memory_space<vmem>>) semaphore(%arg11 : memref<!tpu.dma_semaphore, #tpu.memory_space<semaphore_mem>>)
        }
        %scan3A_100 = arith.constant 64 : i32
      } else {
      }
      %scan3A_67 = arith.constant 0 : i32
      %scan3A_68 = arith.constant 0 : i32
      %scan3A_69 = arith.constant 64 : i32
      %scan3A_70 = arith.addi %scan3A_68, %scan3A_69 : i32
      %scan3A_71 = arith.constant 1 : i32
      scf.for %scan3A_82 = %scan3A_68 to %scan3A_70 step %scan3A_71  : i32 {
        %dma_wait3A_83 = arith.constant 0 : i32
        %dma_wait3A_84 = arith.constant 0 : i32
        %dma_wait3A_85 = arith.constant 0 : i32
        %dma_wait3A_86 = tpu.memref_slice %arg10[%dma_wait3A_83, %dma_wait3A_84, %dma_wait3A_85] : memref<64x26x32xf32, #tpu.memory_space<vmem>> -> memref<1x26x32xf32, #tpu.memory_space<vmem>>
        %dma_wait3A_87 = tpu.memref_squeeze %dma_wait3A_86 : memref<1x26x32xf32, #tpu.memory_space<vmem>> -> memref<26x32xf32, #tpu.memory_space<vmem>>
        %dma_wait3A_88 = arith.constant 0 : i32
        %dma_wait3A_89 = tpu.memref_slice %arg8[%dma_wait3A_88] : memref<2048xi32, #tpu.memory_space<vmem>> -> memref<26xi32, #tpu.memory_space<vmem>>
        %dma_wait3A_90 = arith.constant 0 : i32
        %dma_wait3A_91 = arith.constant 0 : i32
        %dma_wait3A_92 = tpu.memref_slice %arg3[%dma_wait3A_90, %dma_wait3A_91] : memref<1000000x32xf32, #tpu.memory_space<hbm>> -> memref<1000000x32xf32, #tpu.memory_space<hbm>>
        tpu.wait_indirect_dma semaphore(%arg12 : memref<!tpu.dma_semaphore, #tpu.memory_space<semaphore_mem>>) src(%dma_wait3A_92 : memref<1000000x32xf32, #tpu.memory_space<hbm>>) dst(%dma_wait3A_87 : memref<26x32xf32, #tpu.memory_space<vmem>>)
      }
      %scan3A_72 = arith.constant 64 : i32
      %mul3A_73 = arith.constant 64 : i32
      %mul3A_74 = arith.muli %add3A_59, %mul3A_73 : i32
      %add3A_75 = arith.addi %mul3A_2, %mul3A_74 : i32
      %dma_start3A_76 = arith.constant 0 : i32
      %dma_start3A_77 = arith.constant 0 : i32
      %dma_start3A_78 = tpu.memref_slice %arg4[%add3A_75, %dma_start3A_76, %dma_start3A_77] : memref<16384x26x32xf32, #tpu.memory_space<hbm>> -> memref<64x26x32xf32, #tpu.memory_space<hbm>>
      %dma_start3A_79 = arith.constant 0 : i32
      %dma_start3A_80 = arith.constant 0 : i32
      %dma_start3A_81 = tpu.memref_slice %arg4[%add3A_75, %dma_start3A_79, %dma_start3A_80] : memref<16384x26x32xf32, #tpu.memory_space<hbm>> -> memref<64x26x32xf32, #tpu.memory_space<hbm>>
      tpu.enqueue_dma source(%arg10 : memref<64x26x32xf32, #tpu.memory_space<vmem>>) target(%dma_start3A_81 : memref<64x26x32xf32, #tpu.memory_space<hbm>>) target_semaphore(%arg14 : memref<!tpu.dma_semaphore, #tpu.memory_space<semaphore_mem>>)
    }
    %scan3A_21 = arith.constant 4 : i32
    %dma_wait3A = arith.constant 0 : i32
    %dma_wait3A_22 = arith.constant 0 : i32
    %dma_wait3A_23 = tpu.memref_slice %arg4[%mul3A_2, %dma_wait3A, %dma_wait3A_22] : memref<16384x26x32xf32, #tpu.memory_space<hbm>> -> memref<64x26x32xf32, #tpu.memory_space<hbm>>
    %dma_wait3A_24 = arith.constant 0 : i32
    %dma_wait3A_25 = arith.constant 0 : i32
    %dma_wait3A_26 = tpu.memref_slice %arg4[%mul3A_2, %dma_wait3A_24, %dma_wait3A_25] : memref<16384x26x32xf32, #tpu.memory_space<hbm>> -> memref<64x26x32xf32, #tpu.memory_space<hbm>>
    tpu.wait_dma2 semaphore(%arg13 : memref<!tpu.dma_semaphore, #tpu.memory_space<semaphore_mem>>) src(%arg9 : memref<64x26x32xf32, #tpu.memory_space<vmem>>) dst(%dma_wait3A_26 : memref<64x26x32xf32, #tpu.memory_space<hbm>>)
    %dma_wait3A_27 = arith.constant 0 : i32
    %dma_wait3A_28 = arith.constant 0 : i32
    %dma_wait3A_29 = tpu.memref_slice %arg4[%mul3A_2, %dma_wait3A_27, %dma_wait3A_28] : memref<16384x26x32xf32, #tpu.memory_space<hbm>> -> memref<64x26x32xf32, #tpu.memory_space<hbm>>
    %dma_wait3A_30 = arith.constant 0 : i32
    %dma_wait3A_31 = arith.constant 0 : i32
    %dma_wait3A_32 = tpu.memref_slice %arg4[%mul3A_2, %dma_wait3A_30, %dma_wait3A_31] : memref<16384x26x32xf32, #tpu.memory_space<hbm>> -> memref<64x26x32xf32, #tpu.memory_space<hbm>>
    tpu.wait_dma2 semaphore(%arg14 : memref<!tpu.dma_semaphore, #tpu.memory_space<semaphore_mem>>) src(%arg10 : memref<64x26x32xf32, #tpu.memory_space<vmem>>) dst(%dma_wait3A_32 : memref<64x26x32xf32, #tpu.memory_space<hbm>>)
    return
  }
}

</mosaic_0001>

<sc_bundles>
// kernel: kernel.3.cloned.1.call-start
scs
__scs_entry_jumppad:
0x0: {  	(pc) =	sbr.rel $0x88, $3  }
0x1: {  	(tag) =	ssettag $0x0;
	lr =	simm.s32 $0x1  }
0x2: {  	[smem:$0x3F9F] =	sst lr;
	_ =	strace $0xD0000000  }
0x3: {  	_ = 	snop  }
0x4: {  	_ = 	snop  }
0x5: {  	_ = 	snop  }
0x6: {  	_ = 	snop  }
0x7: {  	_ = 	snop  }
__scs_overlays_trampoline_lowered:
0x8: {  	[smem:$0x3FAE] =	sst s0  }
0x9: {  	[smem:$0x3FAF] =	sst s1  }
0xa: {  	[smem:$0x3FB0] =	sst s2  }
0xb: {  	[smem:$0x3FB1] =	sst s3  }
0xc: {  	[smem:$0x3FB2] =	sst s4  }
0xd: {  	[smem:$0x3FB3] =	sst s5  }
0xe: {  	[smem:$0x3FB4] =	sst s6  }
0xf: {  	[smem:$0x3FB5] =	sst s7  }
0x10: {  	[smem:$0x3FB6] =	sst s8  }
0x11: {  	[smem:$0x3FB7] =	sst s9;
	s0 =	simm.s32 @!p0 $0x0  }
0x12: {  	s1 =	sld [smem:$0x3F9D];
	s0 =	simm.s32 @p0 $0x1  }
0x13: {  	[smem:$0x3FB8] =	sst s0;
	s0 =	simm.s32 @!p1 $0x0  }
0x14: {  	s2 =	sld [smem:$0x3F9C];
	s0 =	simm.s32 @p1 $0x1  }
0x15: {  	[smem:$0x3FB9] =	sst s0;
	s0 =	simm.s32 @!p2 $0x0  }
0x16: {  	s3 =	sld [smem:$0x3FDB];
	s0 =	simm.s32 @p2 $0x1  }
0x17: {  	s4 =	simm.s32 $0x1BF5;
	[smem:$0x3FBB] =	sst s0  }
0x18: {  	s0 =	sld [smem:$0x3F9E];
	_ =	swait.ge [sflag:s4], $0x0  }
0x19: {  	s7 =	sld [smem:$0x3F9F]  }
0x1a: {  	s8 =	sadd.s32 $0xFFFFE003, lr  }
0x1b: {  	s9 =	sadd.s32 $0xFFFFFEF7, lr;
	s5 =	simm.s32 $0xFFFFFFFF;
	p2 =	slt.u32 s8, $0xFFFFF086  }
0x1c: {  	p1 =	slt.u32 s9, $0xF7A;
	s5 =	simm.s32 @!p2 $0x0  }
0x1d: {  	s5 =	simm.s32 @p1 $0x1;
	p0 =	seq.s32 s7, s2  }
0x1e: {  	s7 =	smul.u32 @!p0 $0xF7A, s2;
	p2 =	seq.s32 @!p0 s5, $0x0  }
0x1f: {  	s9 =	smul.u32 $0xF7A, s1;
	s8 =	simm.s32 @!p0 $0x1BF5;
	p2 =	por !p2, p0  }
0x20: {  	[sflag:s8] =	ssyncset.s32 @!p0 $0xFFFFF086;
	s6 =	sadd.s32 @!p0 s3, s7;
	s7 =	simm.s32 @!p0 $0x108  }
0x21: {  	s3 =	sadd.s32 s3, s9;
	s6 =	sadd.s32 @!p0 $0x88, s6;
	s7 =	simm.s32 @p2 $0x1082  }
0x22: {  	[simem:s7], [sflag:s8] =	dma.local @!p0 [hbm:s6], $0xF7A  }
0x23: {  	s9 =	sor.u32 $0xD0000000, s2;
	s6 =	simm.s32 $0x108;
	_ =	swait.ge @!p0 [sflag:s8], $0x0  }
0x24: {  	s3 =	sadd.s32 $0x88, s3;
	s6 =	simm.s32 @!p1 $0x1082;
	[sflag:s4] =	ssyncset.s32 $0xFFFFF086  }
0x25: {  	[simem:s6], [sflag:s4] =	dma.local [hbm:s3], $0xF7A  }
0x26: {  	[smem:$0x3F9F] =	sst s1;
	(tag) =	ssettag s2;
	_ =	strace s9  }
0x27: {  	s1 =	sld [smem:$0x3FAF]  }
0x28: {  	s2 =	sld [smem:$0x3FB0]  }
0x29: {  	s4 =	sld [smem:$0x3FB2]  }
0x2a: {  	p0 =	seq.s32 s5, $0x0;
	s5 =	sld [smem:$0x3FB3]  }
0x2b: {  	s6 =	sld [smem:$0x3FB4]  }
0x2c: {  	s7 =	sld [smem:$0x3FB5]  }
0x2d: {  	s3 =	simm.s32 $0x108;
	s8 =	sld [smem:$0x3FB6]  }
0x2e: {  	s3 =	simm.s32 @!p0 $0x1082;
	s9 =	sld [smem:$0x3FB7]  }
0x2f: {  	lr =	sadd.s32 s0, s3;
	s0 =	sld [smem:$0x3FAE]  }
0x30: {  	s3 =	sld [smem:$0x3FB1]  }
0x31: {  	[smem:$0x3FBA] =	sst s10  }
0x32: {  	s10 =	sld [smem:$0x3FB8];
	_ =	sdelay $0x3  }
0x33: {  	p0 =	seq.s32 s10, $0x1;
	s10 =	sld [smem:$0x3FBA];
	_ =	sdelay $0x3  }
0x34: {  	[smem:$0x3FBA] =	sst s10  }
0x35: {  	s10 =	sld [smem:$0x3FB9];
	_ =	sdelay $0x3  }
0x36: {  	p1 =	seq.s32 s10, $0x1;
	s10 =	sld [smem:$0x3FBA];
	_ =	sdelay $0x3  }
0x37: {  	[smem:$0x3FBA] =	sst s10  }
0x38: {  	s10 =	sld [smem:$0x3FBB]  }
0x39: {  	_ = 	snop;
	(pc) =	sbr.ind lr, $3  }
0x3a: {  	_ = 	snop  }
0x3b: {  	_ = 	snop  }
0x3c: {  	p2 =	seq.s32 s10, $0x1;
	s10 =	sld [smem:$0x3FBA]  }
0x3d: {  	_ =	shalt  }
0x3e: {  	_ =	shalt  }
0x3f: {  	_ =	shalt  }
0x40: {  	_ =	shalt  }
0x41: {  	_ =	shalt  }
0x42: {  	_ =	shalt  }
0x43: {  	_ =	shalt  }
0x44: {  	_ =	shalt  }
0x45: {  	_ =	shalt  }
0x46: {  	_ =	shalt  }
0x47: {  	_ =	shalt  }
0x48: {  	_ =	shalt  }
0x49: {  	_ =	shalt  }
0x4a: {  	_ =	shalt  }
0x4b: {  	_ =	shalt  }
0x4c: {  	_ =	shalt  }
0x4d: {  	_ =	shalt  }
0x4e: {  	_ =	shalt  }
0x4f: {  	_ =	shalt  }
0x50: {  	_ =	shalt  }
0x51: {  	_ =	shalt  }
0x52: {  	_ =	shalt  }
0x53: {  	_ =	shalt  }
0x54: {  	_ =	shalt  }
0x55: {  	_ =	shalt  }
0x56: {  	_ =	shalt  }
0x57: {  	_ =	shalt  }
0x58: {  	_ =	shalt  }
0x59: {  	_ =	shalt  }
0x5a: {  	_ =	shalt  }
0x5b: {  	_ =	shalt  }
0x5c: {  	_ =	shalt  }
0x5d: {  	_ =	shalt  }
0x5e: {  	_ =	shalt  }
0x5f: {  	_ =	shalt  }
0x60: {  	_ =	shalt  }
0x61: {  	_ =	shalt  }
0x62: {  	_ =	shalt  }
0x63: {  	_ =	shalt  }
0x64: {  	_ =	shalt  }
0x65: {  	_ =	shalt  }
0x66: {  	_ =	shalt  }
0x67: {  	_ =	shalt  }
0x68: {  	_ =	shalt  }
0x69: {  	_ =	shalt  }
0x6a: {  	_ =	shalt  }
0x6b: {  	_ =	shalt  }
0x6c: {  	_ =	shalt  }
0x6d: {  	_ =	shalt  }
0x6e: {  	_ =	shalt  }
0x6f: {  	_ =	shalt  }
0x70: {  	_ =	shalt  }
0x71: {  	_ =	shalt  }
0x72: {  	_ =	shalt  }
0x73: {  	_ =	shalt  }
0x74: {  	_ =	shalt  }
0x75: {  	_ =	shalt  }
0x76: {  	_ =	shalt  }
0x77: {  	_ =	shalt  }
0x78: {  	_ =	shalt  }
0x79: {  	_ =	shalt  }
0x7a: {  	_ =	shalt  }
0x7b: {  	_ =	shalt  }
0x7c: {  	_ =	shalt  }
0x7d: {  	_ =	shalt  }
0x7e: {  	_ =	shalt  }
0x7f: {  	_ =	shalt  }
0x80: {  	_ =	shalt  }
0x81: {  	_ =	shalt  }
0x82: {  	_ =	shalt  }
0x83: {  	_ =	shalt  }
0x84: {  	_ =	shalt  }
0x85: {  	_ =	shalt  }
0x86: {  	_ =	shalt  }
0x87: {  	_ =	shalt  }
.Lfunc_end0:
.L_simem_size_0:
called_computation.1_lowered:
.L_overlay_start_0:
0x88: {  	s2 =	sld [smem:$0x3FD9]  }
0x89: {  	s3 =	sld [smem:$0x3FFE];
	_ =	sdelay $0x1  }
0x8a: {  	s1 =	srdreg.scid  }
0x8b: {  	s0 =	sand.u32 $0x1, s1  }
0x8c: {  	s17 =	sshll.u32 s0, $0xA;
	s2 =	sadd.s32 s3, s2  }
0x8d: {  	s2 =	sadd.s32 s2, s17  }
0x8e: {  	[smem:$0x3FC6] =	sst s2  }
0x8f: {  	_ = 	snop  }
0x90: {  	s2 =	sld [smem:$0x3FD0];
	(tm) =	ssettm $0x1  }
0x91: {  	s18 =	sld [smem:$0x3FFB];
	_ =	sdelay $0x3  }
0x92: {  	_ =	strace s18  }
0x93: {  	s3 =	sld [smem:$0x3FFC];
	_ =	sdelay $0x3  }
0x94: {  	_ =	strace s3  }
0x95: {  	s3 =	sld [smem:$0x3FFD];
	_ =	sdelay $0x3  }
0x96: {  	_ =	strace s3  }
0x97: {  	_ =	strace $0x8FFFFFFF  }
0x98: {  	s19 =	sld [smem:$0x3FDB];
	_ =	sdelay $0x1  }
0x99: {  	s4 =	simm.s32 $_scs_section_size  }
0x9a: {  	s5 =	simm.s32 $_size__tile_overlayer_lowered;
	s6 =	simm.s32 $_tile_overlayer_lowered  }
0x9b: {  	s22 =	simm.s32 $0x1BFF;
	s21 =	sshll.u32 s6, $0x1;
	s3 =	sadd.s32 s4, s19  }
0x9c: {  	s7 =	simm.s32 $0x0;
	s20 =	sshll.u32 s5, $0x1;
	s5 =	sadd.s32 s21, s3  }
0x9d: {  	[timem:s7], [sflag:s22] =	dma.local [hbm:s5], s20  }
0x9e: {  	_ =	swait.ge [sflag:s22], s20  }
0x9f: {  	s4 =	ssub.s32 $0x0, s20;
	[sflag:s22] =	ssyncset.done $0x0  }
0xa0: {  	[sflag:s22] =	ssyncadd.s32 s4;
	_ =	sdelay $0x1  }
0xa1: {  	s23 =	simm.s32 $0x1B8B  }
0xa2: {  	_ =	swait.ge [sflag:s23], $0x1  }
0xa3: {  	[sflag:s23] =	ssyncset.done $0x0  }
0xa4: {  	s25 =	simm.s32 $0x1B8E;
	s24 =	sld [smem:$0x3FFE];
	[sflag:s23] =	ssyncadd.s32 $0xFFFFFFFF  }
0xa5: {  	s26 =	simm.s32 $execute0_lowered;
	[smem:$0x3FD2] =	sst s25  }
0xa6: {  	s5 =	sshll.u32 s26, $0x1;
	_ =	strace $0x80000046;
	[dreg:$0x1] =	wrdreg $0xFFFFFFFF  }
0xa7: {  	s28 =	simm.s32 $_size_execute0_lowered;
	s3 =	sadd.s32 s3, s5;
	[dreg:$0x0] =	wrdreg $0x0  }
0xa8: {  	s5 =	sshll.u32 s28, $0x1;
	[dreg:$0x2] =	wrdreg s3  }
0xa9: {  	[dreg:$0x3] =	wrdreg s5  }
0xaa: {  	[dreg:$0x4] =	wrdreg $0xC0  }
0xab: {  	_ =	task [dreg:s7], $0x5FFFF  }
0xac: {  	[dreg:$0x1] =	wrdreg $0xFFFFFFFF  }
0xad: {  	[dreg:$0x0] =	wrdreg $0x60  }
0xae: {  	[dreg:$0x2] =	wrdreg s24  }
0xaf: {  	[dreg:$0x3] =	wrdreg s2  }
0xb0: {  	[dreg:$0x4] =	wrdreg $0x9  }
0xb1: {  	_ =	task.clear_ibuf [dreg:s7], $0x5FFFF;
	_ =	strace $0x90000046  }
0xb2: {  	s29 =	simm.s32 $0x9;
	_ =	strace $0x80000048  }
0xb3: {  	_ =	swait.ge [sflag:s29], $0x1  }
0xb4: {  	[sflag:s29] =	ssyncadd.s32 $0xFFFFFFFF  }
0xb5: {  	_ =	strace $0x90000048  }
0xb6: {  	_ =	sfence  }
0xb7: {  	s30 =	sld [smem:$0x0];
	_ =	sdelay $0x2  }
0xb8: {  	s31 =	sshll.u32 s1, $0xD;
	s1 =	sshrl.u32 s1, $0x2  }
0xb9: {  	s3 =	sand.u32 $0x4000, s31;
	s1 =	sadd.s32 s1, s30  }
0xba: {  	s0 =	sor.u32 s3, s0;
	s1 =	sshll.u32 s1, $0x11  }
0xbb: {  	s0 =	sor.u32 s1, s0  }
0xbc: {  	s0 =	sadd.s32 $0x8F2B, s0  }
0xbd: {  	[sflag:s0] =	ssyncadd.remote.s32 $0x1  }
0xbe: {  	_ =	sfence.sel $0xFFFF  }
0xbf: {  	[dreg:$0x0] =	wrdreg $0xFFFFFFFF;
	(pc) =	sbr.abs _section_cstart, $3  }
0xc0: {  	[dreg:$0x1] =	wrdreg $0xFFFFFFFF  }
0xc1: {  	_ =	task.clear_ibuf [dreg:s7], $0x2FFFF;
	_ =	strace $0x9FFFFFFF  }
0xc2: {  	(tm) =	ssettm $0x7FFFFFFF  }
0xc3: {  	_ =	shalt  }
tec
execute0_lowered:
.L_overlay_start_1:
0x0: {  	(tag) =	ssettag $0x1  }
0x1: {  	s1 =	srdreg.scid;
	s5 =	rddreg [dreg:$0x0]  }
0x2: {  	s0 =	stileid.u32;
	s2 =	rddreg [dreg:$0x1]  }
0x3: {  	s3 =	simm.s32 $0x0;
	s9 =	simm.s32 $0x5;
	s10 =	simm.s32 $0x1A  }
0x4: {  	s11 =	simm.s32 $0x800;
	s12 =	simm.s32 $0x1;
	s13 =	simm.s32 $0x2000  }
0x5: {  	s14 =	simm.s32 $0x2;
	s15 =	simm.s32 $0xF000;
	s16 =	simm.s32 $0x3  }
0x6: {  	s17 =	simm.s32 $0x4;
	s18 =	simm.s32 $0x0;
	s6 =	sand.u32 $0x1, s1  }
0x7: {  	s4 =	sshll.u32 s0, $0xA;
	s1 =	rddreg [dreg:$0x2];
	s7 =	sshll.u32 s6, $0x9  }
0x8: {  	[smem:$0x7FF] =	sst s3;
	s6 =	ssub.s32 $0x2, s6;
	s4 =	sor.u32 s7, s4  }
0x9: {  	_ =	strace $0x80000047;
	s8 =	sshrl.u32 s6, $0x1;
	s7 =	sshll.u32 s4, $0x2  }
0xa: {  	s8 =	ssub.s32 s6, s8;
	s7 =	sadd.s32 s7, s5;
	s5 =	sadd.s32 $0xF42E00, s5  }
0xb: {  	s8 =	smax.u32 s8, $0x1;
	s6 =	sadd.s32 $0xA00, s7;
	s7 =	sadd.s32 $0xC00, s7  }
.LBB2_1:
0xc: {  	[tilespmem:s3], [sflag:$0x5] =	stream.linear.gather [hbm4b:s6+s3], $0x800, $0x38;
	[tilespmem:$0x1C000] =	vst v63  }
0xd: {  	_ =	swait.ge [sflag:s9], $0x800  }
0xe: {  	[sflag:s9] =	ssyncset.done $0x0  }
0xf: {  	s19 =	simm.s32 $0x0;
	[sflag:s9] =	ssyncadd.s32 $0xFFFFF800  }
0x10: {  	v0 =	vld [tilespmem:s19+$0x10]  }
0x11: {  	s20 =	simm.s32 $0x80;
	v1 =	vld [tilespmem:s19+$0x0]  }
.LBB2_2:
0x12: {  	p0 =	sne.s32 s20, $0x1F80  }
.Ltmp0:
0x13: {  	_ = 	snop;
	(pc) =	sbr.rel @p0 .LBB2_2-.Ltmp0, $4  }
0x14: {  	_ = 	snop  }
0x15: {  	s21 =	sshra.s32 s20, $0x2;
	s20 =	sadd.s32 $0x80, s20;
	[tilespmem:s19+$0x1010] =	vst v0  }
0x16: {  	v0 =	vld [tilespmem:s21+$0x10];
	[tilespmem:s19+$0x1000] =	vst v1;
	s19 =	smov.u32 s21  }
0x17: {  	v1 =	vld [tilespmem:s19+$0x0]  }
0x18: {  	_ =	sdelay $0x2  }
0x19: {  	s20 =	simm.s32 $0x2000;
	[tilespmem:s19+$0x1010] =	vst v0  }
0x1a: {  	s31 =	simm.s32 $0x1000;
	s21 =	simm.s32 $0x80;
	[tilespmem:s19+$0x1000] =	vst v1;
	s19 =	simm.s32 $0x0  }
0x1b: {  	[tilespmem:s20], [sflag:$0x1] =	stream.indirect.gather [hbm4b:s5+s10], $0x20, s31, s10, $0xb8;
	[tilespmem:$0x1C000] =	vst v63  }
.LBB2_4:
0x1c: {  	p0 =	sne.s32 s21, $0x1F80  }
.Ltmp1:
0x1d: {  	_ = 	snop;
	(pc) =	sbr.rel @p0 .LBB2_4-.Ltmp1, $4  }
0x1e: {  	_ = 	snop  }
0x1f: {  	s22 =	sshra.s32 s21, $0x2;
	s21 =	sadd.s32 $0x80, s21  }
0x20: {  	s20 =	sadd.s32 $0x340, s20;
	s22 =	sadd.s32 $0x1000, s22  }
0x21: {  	[tilespmem:s20], [sflag:$0x1] =	stream.indirect.gather [hbm4b:s5+s10], $0x20, s22, s10, $0xb8;
	[tilespmem:$0x1C000] =	vst v63  }
.LBB2_5:
0x22: {  	p0 =	seq.s32 s19, $0x0  }
0x23: {  	s21 =	simm.s32 @!p0 $0x4  }
0x24: {  	s20 =	sshllo.u32 s19, $0x1;
	_ =	swait.ge @!p0 [sflag:s21], $0xD000  }
0x25: {  	s22 =	sshll.u32 s20, $0x8;
	[sflag:s21] =	ssyncset.done @!p0 $0x0  }
0x26: {  	s22 =	sadd.s32 s22, s6;
	[sflag:s21] =	ssyncadd.s32 @!p0 $0xFFFF3000;
	s21 =	simm.s32 $0x0  }
0x27: {  	[tilespmem:s11], [sflag:$0x5] =	stream.linear.gather [hbm4b:s22+s21], $0x800, $0x38;
	[tilespmem:$0x1C000] =	vst v63  }
0x28: {  	_ =	swait.ge [sflag:s9], $0x800  }
0x29: {  	[sflag:s9] =	ssyncset.done $0x0  }
0x2a: {  	s22 =	simm.s32 $0x0;
	[sflag:s9] =	ssyncadd.s32 $0xFFFFF800  }
0x2b: {  	v0 =	vld [tilespmem:s22+$0x810]  }
0x2c: {  	s23 =	simm.s32 $0x80;
	v1 =	vld [tilespmem:s22+$0x800]  }
.LBB2_6:
0x2d: {  	p0 =	sne.s32 s23, $0x1F80  }
.Ltmp2:
0x2e: {  	_ = 	snop;
	(pc) =	sbr.rel @p0 .LBB2_6-.Ltmp2, $4  }
0x2f: {  	_ = 	snop  }
0x30: {  	s24 =	sshra.s32 s23, $0x2;
	s23 =	sadd.s32 $0x80, s23;
	[tilespmem:s22+$0x1810] =	vst v0  }
0x31: {  	v0 =	vld [tilespmem:s24+$0x810];
	[tilespmem:s22+$0x1800] =	vst v1;
	s22 =	smov.u32 s24  }
0x32: {  	v1 =	vld [tilespmem:s22+$0x800]  }
0x33: {  	_ =	sdelay $0x2  }
0x34: {  	[tilespmem:s22+$0x1810] =	vst v0  }
0x35: {  	[tilespmem:s22+$0x1800] =	vst v1;
	s22 =	simm.s32 $0xF000  }
.LBB2_8:
0x36: {  	p0 =	sne.s32 s21, $0x1F80  }
.Ltmp3:
0x37: {  	_ = 	snop;
	(pc) =	sbr.rel @p0 .LBB2_8-.Ltmp3, $4  }
0x38: {  	s23 =	sshra.s32 s21, $0x2  }
0x39: {  	s23 =	sadd.s32 $0x1800, s23  }
0x3a: {  	[tilespmem:s22], [sflag:$0x2] =	stream.indirect.gather [hbm4b:s5+s10], $0x20, s23, s10, $0xb8;
	[tilespmem:$0x1C000] =	vst v63  }
0x3b: {  	s21 =	sadd.s32 $0x80, s21;
	s22 =	sadd.s32 $0x340, s22  }
0x3c: {  	_ =	swait.ge [sflag:s12], $0x340  }
0x3d: {  	s21 =	simm.s32 $0x3F;
	[sflag:s12] =	ssyncset.done $0x0  }
.LBB2_10:
0x3e: {  	p0 =	sne.s32 s21, $0x1;
	s21 =	sadd.s32 $0xFFFFFFFF, s21;
	[sflag:s12] =	ssyncadd.s32 $0xFFFFFCC0  }
.Ltmp4:
0x3f: {  	(pc) =	sbr.rel @p0 .LBB2_10-.Ltmp4, $3  }
0x40: {  	_ =	sdelay $0x1  }
0x41: {  	_ =	swait.ge [sflag:s12], $0x340  }
0x42: {  	[sflag:s12] =	ssyncset.done $0x0  }
0x43: {  	s21 =	sshll.u32 s19, $0x7;
	p0 =	seq.s32 s19, $0x3  }
.Ltmp5:
0x44: {  	s21 =	sadd.s32 s4, s21;
	(pc) =	sbr.rel @p0 .LBB2_16-.Ltmp5, $3  }
0x45: {  	s21 =	smul.u32 $0x68, s21;
	_ =	sdelay $0x1  }
0x46: {  	[sflag:s12] =	ssyncadd.s32 $0xFFFFFCC0;
	s21 =	sadd.s32 s2, s21  }
0x47: {  	[hbm4b:s21+s3] =	stream.linear.scatter [tilespmem:s13], [sflag:$0x3], $0xD000, $0x38;
	[tilespmem:$0x1C000] =	vst v63  }
0x48: {  	_ =	swait.ge [sflag:s16], $0xD000  }
0x49: {  	s21 =	sshll.u32 s19, $0x9;
	[sflag:s16] =	ssyncset.done $0x0  }
0x4a: {  	s22 =	simm.s32 $0x0;
	s21 =	sadd.s32 s21, s7;
	[sflag:s16] =	ssyncadd.s32 $0xFFFF3000  }
0x4b: {  	[tilespmem:s22], [sflag:$0x5] =	stream.linear.gather [hbm4b:s21+s22], $0x800, $0x38;
	[tilespmem:$0x1C000] =	vst v63  }
0x4c: {  	_ =	swait.ge [sflag:s9], $0x800  }
0x4d: {  	[sflag:s9] =	ssyncset.done $0x0  }
0x4e: {  	s21 =	simm.s32 $0x0;
	[sflag:s9] =	ssyncadd.s32 $0xFFFFF800  }
0x4f: {  	v0 =	vld [tilespmem:s21+$0x10]  }
0x50: {  	s22 =	simm.s32 $0x80;
	v1 =	vld [tilespmem:s21+$0x0]  }
.LBB2_13:
0x51: {  	p0 =	sne.s32 s22, $0x1F80  }
.Ltmp6:
0x52: {  	_ = 	snop;
	(pc) =	sbr.rel @p0 .LBB2_13-.Ltmp6, $4  }
0x53: {  	_ = 	snop  }
0x54: {  	s23 =	sshra.s32 s22, $0x2;
	s22 =	sadd.s32 $0x80, s22;
	[tilespmem:s21+$0x1010] =	vst v0  }
0x55: {  	v0 =	vld [tilespmem:s23+$0x10];
	[tilespmem:s21+$0x1000] =	vst v1;
	s21 =	smov.u32 s23  }
0x56: {  	v1 =	vld [tilespmem:s21+$0x0]  }
0x57: {  	_ =	sdelay $0x2  }
0x58: {  	[tilespmem:s21+$0x1010] =	vst v0  }
0x59: {  	s22 =	simm.s32 $0x1000;
	[tilespmem:s21+$0x1000] =	vst v1;
	s21 =	simm.s32 $0x2000  }
0x5a: {  	[tilespmem:s21], [sflag:$0x1] =	stream.indirect.gather [hbm4b:s5+s10], $0x20, s22, s10, $0xb8;
	[tilespmem:$0x1C000] =	vst v63  }
0x5b: {  	s22 =	simm.s32 $0x80  }
.LBB2_15:
0x5c: {  	p0 =	sne.s32 s22, $0x1F80  }
.Ltmp7:
0x5d: {  	_ = 	snop;
	(pc) =	sbr.rel @p0 .LBB2_15-.Ltmp7, $4  }
0x5e: {  	_ = 	snop  }
0x5f: {  	s23 =	sshra.s32 s22, $0x2;
	s22 =	sadd.s32 $0x80, s22  }
0x60: {  	s21 =	sadd.s32 $0x340, s21;
	s23 =	sadd.s32 $0x1000, s23  }
0x61: {  	[tilespmem:s21], [sflag:$0x1] =	stream.indirect.gather [hbm4b:s5+s10], $0x20, s23, s10, $0xb8;
	[tilespmem:$0x1C000] =	vst v63  }
.LBB2_16:
0x62: {  	_ =	swait.ge [sflag:s14], $0x340  }
0x63: {  	s21 =	simm.s32 $0x3F;
	[sflag:s14] =	ssyncset.done $0x0  }
.LBB2_17:
0x64: {  	p0 =	sne.s32 s21, $0x1;
	s21 =	sadd.s32 $0xFFFFFFFF, s21;
	[sflag:s14] =	ssyncadd.s32 $0xFFFFFCC0  }
.Ltmp8:
0x65: {  	(pc) =	sbr.rel @p0 .LBB2_17-.Ltmp8, $3  }
0x66: {  	_ =	sdelay $0x1  }
0x67: {  	_ =	swait.ge [sflag:s14], $0x340  }
0x68: {  	[sflag:s14] =	ssyncset.done $0x0  }
0x69: {  	s19 =	sadd.s32 $0x1, s19  }
0x6a: {  	s20 =	sshll.u32 s20, $0x6;
	p0 =	sne.s32 s19, $0x4  }
.Ltmp9:
0x6b: {  	s20 =	sadd.s32 s4, s20;
	(pc) =	sbr.rel @p0 .LBB2_5-.Ltmp9, $3  }
0x6c: {  	s20 =	smul.u32 $0x68, s20;
	_ =	sdelay $0x1  }
0x6d: {  	[sflag:s14] =	ssyncadd.s32 $0xFFFFFCC0;
	s20 =	sadd.s32 s2, s20  }
0x6e: {  	[hbm4b:s20+s3] =	stream.linear.scatter [tilespmem:s15], [sflag:$0x4], $0xD000, $0x38;
	[tilespmem:$0x1C000] =	vst v63  }
0x6f: {  	s18 =	sadd.s32 $0x1, s18  }
0x70: {  	_ =	swait.ge [sflag:s16], $0xD000;
	p0 =	sne.s32 s18, s8  }
.Ltmp10:
0x71: {  	[sflag:s16] =	ssyncset.done $0x0;
	(pc) =	sbr.rel @p0 .LBB2_1-.Ltmp10, $4  }
0x72: {  	[sflag:s16] =	ssyncadd.s32 $0xFFFF3000  }
0x73: {  	_ =	swait.ge [sflag:s17], $0xD000  }
0x74: {  	[sflag:s17] =	ssyncset.done $0x0  }
0x75: {  	[sflag:s17] =	ssyncadd.s32 $0xFFFF3000  }
0x76: {  	_ =	sfence.sel $0x180000  }
0x77: {  	[bflag:$0x0] =	sbarrier.arrive $0xFFFF  }
0x78: {  	p0 =	sne.s32 s0, $0x0;
	_ =	strace $0x90000047  }
0x79: {  	s0 =	sadd.s32 @!p0 $0x100000, s1;
	[bflag:$0x2] =	sbarrier.arrive $0xFFFF  }
0x7a: {  	[sflag:s0] =	ssyncadd.tile.s32 @!p0 $0x1;
	_ =	shalt  }
.Lfunc_end2:
_tile_overlayer_lowered:
.L_overlay_start_2:
0x7b: {  	(tag) =	ssettag $0x2  }
0x7c: {  	s0 =	rddreg [dreg:$0x0];
	s2 =	stileid.u32  }
0x7d: {  	s1 =	rddreg [dreg:$0x1];
	p0 =	sne.s32 s2, $0x0  }
0x7e: {  	s3 =	rddreg [dreg:$0x2];
	[bflag:$0x3] =	sbarrier.arrive $0xFFFF;
	s2 =	simm.s32 @!p0 $0x1C05  }
0x7f: {  	[timem:s3], [sflag:s2] =	dma.local @!p0 [hbm:s0], s1  }
0x80: {  	s0 =	simm.s32 @!p0 $0x5  }
0x81: {  	_ =	swait.ge @!p0 [sflag:s0], s1  }
0x82: {  	s1 =	ssub.s32 @!p0 $0x0, s1;
	[sflag:s0] =	ssyncset.done @!p0 $0x0  }
0x83: {  	[sflag:s0] =	ssyncadd.s32 @!p0 s1  }
0x84: {  	[bflag:$0x3] =	sbarrier.arrive $0xFFFF  }
0x85: {  	_ =	shalt  }

// kernel: sparse-core-data-format-call.cloned.1.call-start
scs
called_computation_lowered:
.L_overlay_start_0:
0x0: {  	s2 =	sld [smem:$0x3FD9]  }
0x1: {  	s3 =	sld [smem:$0x3FFE];
	_ =	sdelay $0x1  }
0x2: {  	s1 =	srdreg.scid  }
0x3: {  	s0 =	sand.u32 $0x1, s1  }
0x4: {  	s18 =	sshll.u32 s0, $0xA;
	s2 =	sadd.s32 s3, s2  }
0x5: {  	s2 =	sadd.s32 s2, s18  }
0x6: {  	[smem:$0x3FC6] =	sst s2  }
0x7: {  	_ = 	snop  }
0x8: {  	s2 =	sld [smem:$0x3FD0];
	(tm) =	ssettm $0x1  }
0x9: {  	s19 =	sld [smem:$0x3FFB];
	_ =	sdelay $0x3  }
0xa: {  	_ =	strace s19  }
0xb: {  	s3 =	sld [smem:$0x3FFC];
	_ =	sdelay $0x3  }
0xc: {  	_ =	strace s3  }
0xd: {  	s3 =	sld [smem:$0x3FFD];
	_ =	sdelay $0x3  }
0xe: {  	_ =	strace s3  }
0xf: {  	_ =	strace $0x8FFFFFFF  }
0x10: {  	s20 =	sld [smem:$0x3FDB];
	_ =	sdelay $0x1  }
0x11: {  	s4 =	simm.s32 $_scs_section_size  }
0x12: {  	s5 =	simm.s32 $_size__tile_overlayer_lowered;
	s6 =	simm.s32 $_tile_overlayer_lowered  }
0x13: {  	s23 =	simm.s32 $0x1BFF;
	s22 =	sshll.u32 s6, $0x1;
	s3 =	sadd.s32 s4, s20  }
0x14: {  	s7 =	simm.s32 $0x0;
	s21 =	sshll.u32 s5, $0x1;
	s5 =	sadd.s32 s22, s3  }
0x15: {  	[timem:s7], [sflag:s23] =	dma.local [hbm:s5], s21  }
0x16: {  	_ =	swait.ge [sflag:s23], s21  }
0x17: {  	s4 =	ssub.s32 $0x0, s21;
	[sflag:s23] =	ssyncset.done $0x0  }
0x18: {  	[sflag:s23] =	ssyncadd.s32 s4;
	_ =	sdelay $0x1  }
0x19: {  	s24 =	simm.s32 $0x1B8B  }
0x1a: {  	_ =	swait.ge [sflag:s24], $0x1  }
0x1b: {  	[sflag:s24] =	ssyncset.done $0x0  }
0x1c: {  	s26 =	simm.s32 $0x1B8E;
	s25 =	sld [smem:$0x3FFE];
	[sflag:s24] =	ssyncadd.s32 $0xFFFFFFFF  }
0x1d: {  	s27 =	simm.s32 $execute0_lowered;
	[smem:$0x3FD2] =	sst s26  }
0x1e: {  	s5 =	sshll.u32 s27, $0x1;
	_ =	strace $0x80000049;
	[dreg:$0x1] =	wrdreg $0xFFFFFFFF  }
0x1f: {  	s28 =	simm.s32 $_size_execute0_lowered;
	s3 =	sadd.s32 s3, s5;
	[dreg:$0x0] =	wrdreg $0x0  }
0x20: {  	s5 =	sshll.u32 s28, $0x1;
	[dreg:$0x2] =	wrdreg s3  }
0x21: {  	[dreg:$0x3] =	wrdreg s5  }
0x22: {  	[dreg:$0x4] =	wrdreg $0xC0  }
0x23: {  	_ =	task [dreg:s7], $0x5FFFF  }
0x24: {  	[dreg:$0x1] =	wrdreg $0xFFFFFFFF  }
0x25: {  	[dreg:$0x0] =	wrdreg $0x60  }
0x26: {  	[dreg:$0x2] =	wrdreg s25  }
0x27: {  	[dreg:$0x3] =	wrdreg s2  }
0x28: {  	[dreg:$0x4] =	wrdreg $0x9  }
0x29: {  	_ =	task.clear_ibuf [dreg:s7], $0x5FFFF;
	_ =	strace $0x90000049  }
0x2a: {  	s29 =	simm.s32 $0x9;
	_ =	strace $0x8000004B  }
0x2b: {  	_ =	swait.ge [sflag:s29], $0x1  }
0x2c: {  	[sflag:s29] =	ssyncadd.s32 $0xFFFFFFFF  }
0x2d: {  	_ =	strace $0x9000004B  }
0x2e: {  	_ =	sfence  }
0x2f: {  	s30 =	sld [smem:$0x0];
	_ =	sdelay $0x2  }
0x30: {  	s31 =	sshll.u32 s1, $0xD;
	s1 =	sshrl.u32 s1, $0x2  }
0x31: {  	s3 =	sand.u32 $0x4000, s31;
	s1 =	sadd.s32 s1, s30  }
0x32: {  	s0 =	sor.u32 s3, s0;
	s1 =	sshll.u32 s1, $0x11  }
0x33: {  	s0 =	sor.u32 s1, s0  }
0x34: {  	s0 =	sadd.s32 $0x8F2B, s0  }
0x35: {  	[sflag:s0] =	ssyncadd.remote.s32 $0x1  }
0x36: {  	_ =	sfence.sel $0xFFFF  }
0x37: {  	[dreg:$0x0] =	wrdreg $0xFFFFFFFF;
	(pc) =	sbr.abs _section_cstart, $3  }
0x38: {  	[dreg:$0x1] =	wrdreg $0xFFFFFFFF  }
0x39: {  	_ =	task.clear_ibuf [dreg:s7], $0x2FFFF;
	_ =	strace $0x9FFFFFFF  }
0x3a: {  	(tm) =	ssettm $0x7FFFFFFF  }
0x3b: {  	_ =	shalt  }
tec
execute0_lowered:
.L_overlay_start_1:
0x0: {  	(tag) =	ssettag $0x1  }
0x1: {  	s0 =	srdreg.scid  }
0x2: {  	s1 =	sshll.u32 s0, $0x4  }
0x3: {  	s0 =	stileid.u32;
	s1 =	sand.u32 $0x10, s1  }
0x4: {  	s1 =	sor.u32 s0, s1  }
0x5: {  	s6 =	rddreg [dreg:$0x0];
	s4 =	simm.s32 $0x1;
	s2 =	sshll.u32 s1, $0x7  }
0x6: {  	s7 =	simm.s32 $0x2;
	s12 =	simm.s32 $0x0;
	s1 =	ssub.s32 $0x4000, s2  }
0x7: {  	s8 =	simm.s32 $0x20000;
	s13 =	simm.s32 $0x0;
	s3 =	sand.u32 $0xF80, s1  }
0x8: {  	s9 =	simm.s32 $0x0;
	s5 =	sshrl.u32 s1, $0xC;
	p0 =	sne.s32 s3, $0x0  }
.Ltmp0:
0x9: {  	s1 =	rddreg [dreg:$0x2];
	s4 =	simm.s32 @!p0 $0x0;
	(pc) =	sbr.rel .LBB1_1-.Ltmp0, $4  }
0xa: {  	s11 =	simm.s32 $0x0;
	s3 =	rddreg [dreg:$0x1];
	s5 =	sadd.s32 s4, s5  }
0xb: {  	_ =	strace $0x8000004A;
	s4 =	simm.s32 $0x1;
	s5 =	smul.u32 $0x1A, s5  }
0xc: {  	s6 =	sadd.s32 $0xA00, s6;
	s10 =	smov.u32 s2;
	[sflag:s4] =	ssyncpa.u1 $0x0  }
0xd: {  	p0 =	por $0x0, $0x0;
	[sflag:s7] =	ssyncpa.u1 $0x0;
	s7 =	sor.u32 $0x1, s5  }
.LBB1_4:
0xe: {  	s16 =	sshll.u32 s13, $0x3;
	s17 =	sand.u32 $0x78, s13  }
0xf: {  	s30 =	sand.u32 $0xF800, s13;
	s12 =	sshll.u32 s12, $0x10;
	s16 =	sand.u32 $0x3C00, s16  }
0x10: {  	s31 =	sand.u32 $0x7, s13;
	s16 =	sor.u32 s17, s16;
	s17 =	sadd.s32 s3, s30  }
0x11: {  	s13 =	sshll.u32 s31, $0x12;
	s16 =	sshrl.u32 s16, $0x3;
	s12 =	sadd.s32 s12, s17  }
0x12: {  	[tilespmem:s15+$0x0 ss:$0x81] =	vst.msk $0xffff, v0;
	s13 =	sor.u32 $0x400, s13;
	s12 =	sadd.s32 s16, s12  }
0x13: {  	[hbm4b:s12+s13] =	stream.strided.scatter [tilespmem:s14], [sflag:$0x2], $0x1000, s8, s13, $0x20;
	[tilespmem:$0x4040] =	vst v63  }
.LBB1_5:
0x14: {  	s14 =	sadd.s32 $0x1, s9  }
0x15: {  	s12 =	sadd.s32 $0x1000, s10;
	s16 =	smov.u32 s10;
	p2 =	sgt.s32 s14, $0x19  }
0x16: {  	s16 =	smov.u32 @p2 s12  }
0x17: {  	s14 =	simm.s32 @p2 $0x0;
	p2 =	sgt.s32 s16, $0x3FFF  }
0x18: {  	s16 =	smov.u32 @p2 s2;
	p2 =	sne.s32 s11, s7  }
.Ltmp1:
0x19: {  	p1 =	slt.u32 s11, $0x2;
	(pc) =	sbr.rel @!p2 .LBB1_6-.Ltmp1, $4  }
0x1a: {  	s15 =	simm.s32 @!p1 $0x2  }
0x1b: {  	s13 =	smov.u32 s10;
	p0 =	por !p0, !p0;
	_ =	swait.ge @!p1 [sflag:s15], $0x1000  }
0x1c: {  	s12 =	smov.u32 s9;
	[sflag:s15] =	ssyncset.done @!p1 $0x0;
	s9 =	smov.u32 s14  }
0x1d: {  	s11 =	sadd.s32 $0x1, s11;
	[sflag:s15] =	ssyncadd.s32 @!p1 $0xFFFFF000;
	s10 =	smov.u32 s16  }
.LBB1_1:
0x1e: {  	p1 =	sge.u32 s11, s5  }
0x1f: {  	s31 =	sadd.s32 $0xFFFFFFFF, s11;
	s14 =	sxor.u32 @!p1 $0xFFFFFFFF, s11  }
0x20: {  	s15 =	sshll.u32 @!p1 s10, $0x9;
	s16 =	sshll.u32 @!p1 s9, $0x4;
	s17 =	simm.s32 @!p1 $0x1000  }
0x21: {  	s14 =	sshll.u32 @!p1 s14, $0xC;
	s16 =	sand.u32 @!p1 $0x1F0, s16;
	s15 =	sadd.s32 @!p1 s6, s15  }
0x22: {  	s14 =	sand.u32 @!p1 $0x1000, s14;
	s15 =	sadd.s32 @!p1 s16, s15;
	s16 =	simm.s32 @!p1 $0x20  }
0x23: {  	[tilespmem:s14], [sflag:$0x1] =	stream.strided.gather @!p1 [hbm4b:s15+s16], $0x1000, s17, s16, $0x38;
	[tilespmem:$0x4040] =	vst v63  }
0x24: {  	p1 =	sge.u32 s31, s5  }
.Ltmp2:
0x25: {  	_ = 	snop;
	(pc) =	sbr.rel @p1 .LBB1_5-.Ltmp2, $1  }
0x26: {  	_ =	sdelay $0x3  }
0x27: {  	s14 =	simm.s32 $0x1  }
0x28: {  	_ =	swait.ge [sflag:s4], $0x1000;
	s14 =	simm.s32 @!p0 $0x0  }
0x29: {  	[sflag:s4] =	ssyncset.done $0x0;
	s15 =	sshll.u32 s14, $0xC  }
0x2a: {  	[sflag:s4] =	ssyncadd.s32 $0xFFFFF000;
	s18 =	sor.u32 $0x10, s15  }
0x2b: {  	s14 =	smul.u32 $0x4080, s14;
	v1 =	vld [tilespmem:s18+$0x0]  }
0x2c: {  	s30 =	sand.u32 $0x1, s11;
	v0 =	vld [tilespmem:s18+$0xFFFFFFF0]  }
0x2d: {  	s15 =	smul.u32 $0x4080, s30;
	s14 =	sshrl.u32 s14, $0x2  }
0x2e: {  	s16 =	sor.u32 $0x2000, s14  }
0x2f: {  	s31 =	sshrl.u32 s15, $0x2;
	s15 =	sadd.s32 $0x0, s16  }
0x30: {  	s17 =	simm.s32 $0x4;
	s18 =	sadd.s32 $0x20, s18;
	s14 =	sor.u32 $0x2000, s31;
	[tilespmem:s15+$0x810 ss:$0x81] =	vst.msk $0xffff, v1  }
.LBB1_3:
0x31: {  	v1 =	vld [tilespmem:s18+$0x0];
	p1 =	sne.s32 s17, $0x1FC;
	[tilespmem:s15+$0x0 ss:$0x81] =	vst.msk $0xffff, v0;
	s15 =	smov.u32 s17;
	s17 =	sadd.s32 $0x4, s17  }
.Ltmp3:
0x32: {  	v0 =	vld [tilespmem:s18+$0xFFFFFFF0];
	(pc) =	sbr.rel @p1 .LBB1_3-.Ltmp3, $4  }
0x33: {  	_ = 	snop  }
0x34: {  	s15 =	sshra.s32 s15, $0x2  }
0x35: {  	s15 =	sadd.s32 s15, s16  }
0x36: {  	s18 =	sadd.s32 $0x20, s18;
	[tilespmem:s15+$0x810 ss:$0x81] =	vst.msk $0xffff, v1  }
.Ltmp4:
0x37: {  	_ = 	snop;
	(pc) =	sbr.rel .LBB1_4-.Ltmp4, $1  }
0x38: {  	_ =	sdelay $0x3  }
.LBB1_6:
0x39: {  	_ =	sfence.sel $0x180000  }
0x3a: {  	s2 =	simm.s32 $0x1;
	[bflag:$0x0] =	sbarrier.arrive $0xFFFF  }
0x3b: {  	s31 =	simm.s32 $0x2;
	[sflag:s2] =	ssyncpa.u1 $0x1  }
0x3c: {  	[sflag:s31] =	ssyncpa.u1 $0x1  }
0x3d: {  	p0 =	sne.s32 s0, $0x0;
	_ =	strace $0x9000004A  }
0x3e: {  	s0 =	sadd.s32 @!p0 $0x100000, s1;
	[bflag:$0x2] =	sbarrier.arrive $0xFFFF  }
0x3f: {  	[sflag:s0] =	ssyncadd.tile.s32 @!p0 $0x1;
	_ =	shalt  }
.Lfunc_end1:
_tile_overlayer_lowered:
.L_overlay_start_2:
0x40: {  	(tag) =	ssettag $0x2  }
0x41: {  	s0 =	rddreg [dreg:$0x0];
	s2 =	stileid.u32  }
0x42: {  	s1 =	rddreg [dreg:$0x1];
	p0 =	sne.s32 s2, $0x0  }
0x43: {  	s3 =	rddreg [dreg:$0x2];
	[bflag:$0x3] =	sbarrier.arrive $0xFFFF;
	s2 =	simm.s32 @!p0 $0x1C01  }
0x44: {  	[timem:s3], [sflag:s2] =	dma.local @!p0 [hbm:s0], s1  }
0x45: {  	s0 =	simm.s32 @!p0 $0x1  }
0x46: {  	_ =	swait.ge @!p0 [sflag:s0], s1  }
0x47: {  	s1 =	ssub.s32 @!p0 $0x0, s1;
	[sflag:s0] =	ssyncset.done @!p0 $0x0  }
0x48: {  	[sflag:s0] =	ssyncadd.s32 @!p0 s1  }
0x49: {  	[bflag:$0x3] =	sbarrier.arrive $0xFFFF  }
0x4a: {  	_ =	shalt  }

</sc_bundles>
